<compile_context>
chip_gen: v7x
topology: tpu7x:2x2x1
jax: 0.10.2.dev20260603
libtpu: 0.0.44.dev20260713+nightly
codegen_flags: <defaults>
</compile_context>

<pallas_src>
import jax
import numpy as np
import jax.numpy as jnp
from jax.experimental import pallas as pl
from jax.experimental.pallas import tpu as pltpu

SIZE_HALF = 1024
N_SEG = 8
HIDDEN = 64
EPS = 1e-06
NPLANES = 2 * N_SEG + 1


def _spline_kernel(x_ref, w1_ref, b1_ref, w2_ref, b2_ref, phi_ref, ld_ref):
    x_a = x_ref[:, :SIZE_HALF]
    x_b = x_ref[:, SIZE_HALF:]

    hid = jnp.tanh(
        jnp.dot(x_a - 0.5, w1_ref[...], preferred_element_type=jnp.float32)
        + b1_ref[...]
    )
    out = jnp.tanh(
        jnp.dot(hid, w2_ref[...], preferred_element_type=jnp.float32)
        + b2_ref[...]
    )

    h_planes = [out[:, j * SIZE_HALF:(j + 1) * SIZE_HALF] for j in range(N_SEG + 1)]
    w_planes = [out[:, (N_SEG + 1 + j) * SIZE_HALF:(N_SEG + 2 + j) * SIZE_HALF]
                for j in range(N_SEG)]

    ew = [jnp.exp(p) for p in w_planes]
    S = ew[0]
    for t in ew[1:]:
        S = S + t

    eh = [jnp.exp(p) for p in h_planes]

    xbs = x_b * S
    xt = -EPS * S
    st = jnp.zeros_like(x_b)
    w_sel = ew[0]
    eh_sel = eh[0]
    ehp1_sel = eh[1]
    x_sel = xt
    s_sel = st
    for k in range(1, N_SEG):
        xt = xt + ew[k - 1]
        st = st + ew[k - 1] * (eh[k - 1] + eh[k])
        mask = xbs > xt
        w_sel = jnp.where(mask, ew[k], w_sel)
        eh_sel = jnp.where(mask, eh[k], eh_sel)
        ehp1_sel = jnp.where(mask, eh[k + 1], ehp1_sel)
        x_sel = jnp.where(mask, xt, x_sel)
        s_sel = jnp.where(mask, st, s_sel)
    dt2 = st + ew[N_SEG - 1] * (eh[N_SEG - 1] + eh[N_SEG])

    inv_dt2 = 1.0 / dt2
    alpha = (xbs - x_sel) / w_sel
    adh = alpha * (ehp1_sel - eh_sel)
    teh = eh_sel + eh_sel
    phi_b = (s_sel + alpha * w_sel * (teh + adh)) * inv_dt2
    grad = (teh + (adh + adh)) * (S * inv_dt2)

    phi_ref[:, :SIZE_HALF] = x_a
    phi_ref[:, SIZE_HALF:] = phi_b
    ld_ref[...] = -jnp.sum(jnp.log(grad), axis=1, keepdims=True)


def kernel(x_input, log_density, W1, b1, W2, b2):
    B = x_input.shape[0]
    perm = (np.arange(NPLANES * SIZE_HALF).reshape(NPLANES, SIZE_HALF) % SIZE_HALF) * NPLANES + (
        np.arange(NPLANES * SIZE_HALF).reshape(NPLANES, SIZE_HALF) // SIZE_HALF)
    W2pm = jnp.take(W2, jnp.asarray(perm.reshape(-1)), axis=1)
    b2pm = b2.reshape(SIZE_HALF, NPLANES).T.reshape(1, NPLANES * SIZE_HALF)
    b1r = b1.reshape(1, HIDDEN)

    bb = 256
    grid = (B // bb,)
    phi, ld = pl.pallas_call(
        _spline_kernel,
        grid=grid,
        in_specs=[
            pl.BlockSpec((bb, 2 * SIZE_HALF), lambda i: (i, 0)),
            pl.BlockSpec((SIZE_HALF, HIDDEN), lambda i: (0, 0)),
            pl.BlockSpec((1, HIDDEN), lambda i: (0, 0)),
            pl.BlockSpec((HIDDEN, NPLANES * SIZE_HALF), lambda i: (0, 0)),
            pl.BlockSpec((1, NPLANES * SIZE_HALF), lambda i: (0, 0)),
        ],
        out_specs=[
            pl.BlockSpec((bb, 2 * SIZE_HALF), lambda i: (i, 0)),
            pl.BlockSpec((bb, 1), lambda i: (i, 0)),
        ],
        out_shape=[
            jax.ShapeDtypeStruct((B, 2 * SIZE_HALF), jnp.float32),
            jax.ShapeDtypeStruct((B, 1), jnp.float32),
        ],
        compiler_params=pltpu.CompilerParams(
            dimension_semantics=("parallel",),
        ),
    )(x_input, W1, b1r, W2pm, b2pm)
    return phi, log_density + ld

# --- scband reference (transcript-rebuilt; emitter-appended) ---
"""Pipeline reference for scband-quadratic-spline-layer-72181220376722 (READ-ONLY COPY).

The authoritative reference and input builder live on the scoring server;
editing this copy changes nothing except your own understanding.
"""

import jax, jax.numpy as jnp
import numpy as np

SIZE_HALF = 1024
N_SEG = 8
HIDDEN = 64
EPS = 1e-06
BATCH = 2048
SIZE_OUT = SIZE_HALF * (2 * N_SEG + 1)


def setup_inputs(seed: int = 0) -> dict:
    key = jax.random.key(seed)
    ks = jax.random.split(key, 8)
    x_input = jax.random.uniform(ks[0], (BATCH, 2 * SIZE_HALF), dtype=jnp.float32)
    log_density = jnp.zeros((BATCH, 1), dtype=jnp.float32)
    lim1 = 1.0 / np.sqrt(SIZE_HALF)
    W1 = jax.random.uniform(ks[1], (SIZE_HALF, HIDDEN), minval=-lim1, maxval=lim1, dtype=jnp.float32)
    b1 = jax.random.uniform(ks[2], (HIDDEN,), minval=-lim1, maxval=lim1, dtype=jnp.float32)
    lim2 = 1.0 / np.sqrt(HIDDEN)
    W2 = jax.random.uniform(ks[3], (HIDDEN, SIZE_OUT), minval=-lim2, maxval=lim2, dtype=jnp.float32)
    b2 = jax.random.uniform(ks[4], (SIZE_OUT,), minval=-lim2, maxval=lim2, dtype=jnp.float32)
    return {"x_input": x_input, "log_density": log_density, "W1": W1, "b1": b1, "W2": W2, "b2": b2}


def reference(x_input, log_density, W1, b1, W2, b2):
    # even_sites=True: a = first half, b = second half, join order (a, b)
    x_a = x_input[:, :SIZE_HALF]
    x_b = x_input[:, SIZE_HALF:]
    # NeuralNetwork: dense -> tanh -> dense -> tanh (final_activation = activation)
    hid = jnp.tanh((x_a - 0.5) @ W1 + b1)
    net_out = jnp.tanh(hid @ W2 + b2)
    out = net_out.reshape(-1, SIZE_HALF, 2 * N_SEG + 1)
    h_raw = out[..., : N_SEG + 1]
    w_raw = out[..., N_SEG + 1:]
    w_norm = jax.nn.softmax(w_raw, axis=2)
    denom = (0.5 * w_norm * (jnp.exp(h_raw[..., :-1]) + jnp.exp(h_raw[..., 1:]))).sum(axis=2, keepdims=True)
    h_norm = jnp.exp(h_raw) / denom
    B = x_input.shape[0]
    x_knot_points = jnp.concatenate(
        [jnp.zeros((B, SIZE_HALF, 1), dtype=x_input.dtype) - EPS, jnp.cumsum(w_norm, axis=2)], axis=2)
    phi_knot_points = jnp.concatenate(
        [jnp.zeros((B, SIZE_HALF, 1), dtype=x_input.dtype),
         jnp.cumsum(0.5 * w_norm * (h_norm[..., :-1] + h_norm[..., 1:]), axis=2)], axis=2)
    # torch.searchsorted(sorted, v) - 1  ==  (# elements strictly < v) - 1
    k_ind = jnp.sum(x_knot_points < x_b[..., None], axis=2, keepdims=True) - 1
    k_ind = jnp.clip(k_ind, 0, N_SEG - 1)
    w_k = jnp.take_along_axis(w_norm, k_ind, axis=2)
    h_k = jnp.take_along_axis(h_norm, k_ind, axis=2)
    h_kp1 = jnp.take_along_axis(h_norm, k_ind + 1, axis=2)
    x_km1 = jnp.take_along_axis(x_knot_points, k_ind, axis=2)
    phi_km1 = jnp.take_along_axis(phi_knot_points, k_ind, axis=2)
    alpha = (x_b[..., None] - x_km1) / w_k
    phi_b = (phi_km1 + alpha * h_k * w_k + 0.5 * alpha ** 2 * (h_kp1 - h_k) * w_k).squeeze(-1)
    phi_out = jnp.concatenate([x_a, phi_b], axis=1)
    log_density_out = log_density - jnp.log(h_k + alpha * (h_kp1 - h_k)).sum(axis=1)
    return (phi_out, log_density_out)

if __name__ == "__main__":
    import jax
    _d = setup_inputs()
    print(jax.jit(kernel)(*tuple(_d.values())))

</pallas_src>

<mosaic_0001>
module attributes {stable_mosaic.version = 14 : i64} {
  func.func @_spline_kernel(%arg0: i32, %arg1: memref<256x2048xf32, #tpu.memory_space<vmem>>, %arg2: memref<1024x64xf32, #tpu.memory_space<vmem>>, %arg3: memref<1x64xf32, #tpu.memory_space<vmem>>, %arg4: memref<64x17408xf32, #tpu.memory_space<vmem>>, %arg5: memref<1x17408xf32, #tpu.memory_space<vmem>>, %arg6: memref<256x2048xf32, #tpu.memory_space<vmem>>, %arg7: memref<256x1xf32, #tpu.memory_space<vmem>>) attributes {dimension_semantics = [#tpu.dimension_semantics<parallel>], iteration_bounds = array<i64: 8>, scalar_prefetch = 0 : i64, scratch_operands = 0 : i64, tpu.core_type = #tpu.core_type<tc>, window_params = [{transform_indices = @transform_0, window_bounds = array<i64: 256, 2048>}, {pipeline_mode = #tpu.pipeline_mode<synchronous>, transform_indices = @transform_1, window_bounds = array<i64: 1024, 64>}, {pipeline_mode = #tpu.pipeline_mode<synchronous>, transform_indices = @transform_2, window_bounds = array<i64: 1, 64>}, {pipeline_mode = #tpu.pipeline_mode<synchronous>, transform_indices = @transform_3, window_bounds = array<i64: 64, 17408>}, {pipeline_mode = #tpu.pipeline_mode<synchronous>, transform_indices = @transform_4, window_bounds = array<i64: 1, 17408>}, {transform_indices = @transform_5, window_bounds = array<i64: 256, 2048>}, {transform_indices = @transform_6, window_bounds = array<i64: 256, 1>}]} {
    %get3A = arith.constant 0 : index
    %get3A_0 = arith.constant 0 : index
    %get3A_1 = vector.load %arg1[%get3A, %get3A_0] : memref<256x2048xf32, #tpu.memory_space<vmem>>, vector<256x1024xf32>
    %get3A_2 = arith.constant 0 : index
    %get3A_3 = arith.constant 1024 : index
    %get3A_4 = vector.load %arg1[%get3A_2, %get3A_3] : memref<256x2048xf32, #tpu.memory_space<vmem>>, vector<256x1024xf32>
    %sub3A = arith.constant 5.000000e-01 : f32
    %sub3A_5 = vector.broadcast %sub3A : f32 to vector<256x1024xf32>
    %sub3A_6 = arith.subf %get3A_1, %sub3A_5 : vector<256x1024xf32>
    %get3A_7 = arith.constant 0 : index
    %get3A_8 = arith.constant 0 : index
    %get3A_9 = vector.load %arg2[%get3A_7, %get3A_8] : memref<1024x64xf32, #tpu.memory_space<vmem>>, vector<1024x64xf32>
    %dot_general3A = arith.constant dense<0.000000e+00> : vector<256x64xf32>
    %dot_general3A_10 = tpu.matmul %sub3A_6, %get3A_9, %dot_general3A {dimension_numbers = #tpu.dot_dimension_numbers<[1], [0], [0], [1], [0, 0, 1, 1], [], []>, transpose_lhs_hint = false} : vector<256x1024xf32>, vector<1024x64xf32>, vector<256x64xf32> -> vector<256x64xf32>
    %get3A_11 = arith.constant 0 : index
    %get3A_12 = arith.constant 0 : index
    %get3A_13 = vector.load %arg3[%get3A_11, %get3A_12] : memref<1x64xf32, #tpu.memory_space<vmem>>, vector<1x64xf32>
    %add3A = vector.broadcast %get3A_13 : vector<1x64xf32> to vector<256x64xf32>
    %add3A_14 = arith.addf %dot_general3A_10, %add3A : vector<256x64xf32>
    %tanh3A = math.tanh %add3A_14 : vector<256x64xf32>
    %get3A_15 = arith.constant 0 : index
    %get3A_16 = arith.constant 0 : index
    %get3A_17 = vector.load %arg4[%get3A_15, %get3A_16] : memref<64x17408xf32, #tpu.memory_space<vmem>>, vector<64x17408xf32>
    %dot_general3A_18 = arith.constant dense<0.000000e+00> : vector<256x17408xf32>
    %dot_general3A_19 = tpu.matmul %tanh3A, %get3A_17, %dot_general3A_18 {dimension_numbers = #tpu.dot_dimension_numbers<[1], [0], [0], [1], [0, 0, 1, 1], [], []>, transpose_lhs_hint = false} : vector<256x64xf32>, vector<64x17408xf32>, vector<256x17408xf32> -> vector<256x17408xf32>
    %get3A_20 = arith.constant 0 : index
    %get3A_21 = arith.constant 0 : index
    %get3A_22 = vector.load %arg5[%get3A_20, %get3A_21] : memref<1x17408xf32, #tpu.memory_space<vmem>>, vector<1x17408xf32>
    %add3A_23 = vector.broadcast %get3A_22 : vector<1x17408xf32> to vector<256x17408xf32>
    %add3A_24 = arith.addf %dot_general3A_19, %add3A_23 : vector<256x17408xf32>
    %tanh3A_25 = math.tanh %add3A_24 : vector<256x17408xf32>
    %slice3A = vector.extract_strided_slice %tanh3A_25 {offsets = [0, 0], sizes = [256, 1024], strides = [1, 1]} : vector<256x17408xf32> to vector<256x1024xf32>
    %slice3A_26 = vector.extract_strided_slice %tanh3A_25 {offsets = [0, 1024], sizes = [256, 1024], strides = [1, 1]} : vector<256x17408xf32> to vector<256x1024xf32>
    %slice3A_27 = vector.extract_strided_slice %tanh3A_25 {offsets = [0, 2048], sizes = [256, 1024], strides = [1, 1]} : vector<256x17408xf32> to vector<256x1024xf32>
    %slice3A_28 = vector.extract_strided_slice %tanh3A_25 {offsets = [0, 3072], sizes = [256, 1024], strides = [1, 1]} : vector<256x17408xf32> to vector<256x1024xf32>
    %slice3A_29 = vector.extract_strided_slice %tanh3A_25 {offsets = [0, 4096], sizes = [256, 1024], strides = [1, 1]} : vector<256x17408xf32> to vector<256x1024xf32>
    %slice3A_30 = vector.extract_strided_slice %tanh3A_25 {offsets = [0, 5120], sizes = [256, 1024], strides = [1, 1]} : vector<256x17408xf32> to vector<256x1024xf32>
    %slice3A_31 = vector.extract_strided_slice %tanh3A_25 {offsets = [0, 6144], sizes = [256, 1024], strides = [1, 1]} : vector<256x17408xf32> to vector<256x1024xf32>
    %slice3A_32 = vector.extract_strided_slice %tanh3A_25 {offsets = [0, 7168], sizes = [256, 1024], strides = [1, 1]} : vector<256x17408xf32> to vector<256x1024xf32>
    %slice3A_33 = vector.extract_strided_slice %tanh3A_25 {offsets = [0, 8192], sizes = [256, 1024], strides = [1, 1]} : vector<256x17408xf32> to vector<256x1024xf32>
    %slice3A_34 = vector.extract_strided_slice %tanh3A_25 {offsets = [0, 9216], sizes = [256, 1024], strides = [1, 1]} : vector<256x17408xf32> to vector<256x1024xf32>
    %slice3A_35 = vector.extract_strided_slice %tanh3A_25 {offsets = [0, 10240], sizes = [256, 1024], strides = [1, 1]} : vector<256x17408xf32> to vector<256x1024xf32>
    %slice3A_36 = vector.extract_strided_slice %tanh3A_25 {offsets = [0, 11264], sizes = [256, 1024], strides = [1, 1]} : vector<256x17408xf32> to vector<256x1024xf32>
    %slice3A_37 = vector.extract_strided_slice %tanh3A_25 {offsets = [0, 12288], sizes = [256, 1024], strides = [1, 1]} : vector<256x17408xf32> to vector<256x1024xf32>
    %slice3A_38 = vector.extract_strided_slice %tanh3A_25 {offsets = [0, 13312], sizes = [256, 1024], strides = [1, 1]} : vector<256x17408xf32> to vector<256x1024xf32>
    %slice3A_39 = vector.extract_strided_slice %tanh3A_25 {offsets = [0, 14336], sizes = [256, 1024], strides = [1, 1]} : vector<256x17408xf32> to vector<256x1024xf32>
    %slice3A_40 = vector.extract_strided_slice %tanh3A_25 {offsets = [0, 15360], sizes = [256, 1024], strides = [1, 1]} : vector<256x17408xf32> to vector<256x1024xf32>
    %slice3A_41 = vector.extract_strided_slice %tanh3A_25 {offsets = [0, 16384], sizes = [256, 1024], strides = [1, 1]} : vector<256x17408xf32> to vector<256x1024xf32>
    %exp3A = math.exp %slice3A_34 : vector<256x1024xf32>
    %exp3A_42 = math.exp %slice3A_35 : vector<256x1024xf32>
    %exp3A_43 = math.exp %slice3A_36 : vector<256x1024xf32>
    %exp3A_44 = math.exp %slice3A_37 : vector<256x1024xf32>
    %exp3A_45 = math.exp %slice3A_38 : vector<256x1024xf32>
    %exp3A_46 = math.exp %slice3A_39 : vector<256x1024xf32>
    %exp3A_47 = math.exp %slice3A_40 : vector<256x1024xf32>
    %exp3A_48 = math.exp %slice3A_41 : vector<256x1024xf32>
    %add3A_49 = arith.addf %exp3A, %exp3A_42 : vector<256x1024xf32>
    %add3A_50 = arith.addf %add3A_49, %exp3A_43 : vector<256x1024xf32>
    %add3A_51 = arith.addf %add3A_50, %exp3A_44 : vector<256x1024xf32>
    %add3A_52 = arith.addf %add3A_51, %exp3A_45 : vector<256x1024xf32>
    %add3A_53 = arith.addf %add3A_52, %exp3A_46 : vector<256x1024xf32>
    %add3A_54 = arith.addf %add3A_53, %exp3A_47 : vector<256x1024xf32>
    %add3A_55 = arith.addf %add3A_54, %exp3A_48 : vector<256x1024xf32>
    %exp3A_56 = math.exp %slice3A : vector<256x1024xf32>
    %exp3A_57 = math.exp %slice3A_26 : vector<256x1024xf32>
    %exp3A_58 = math.exp %slice3A_27 : vector<256x1024xf32>
    %exp3A_59 = math.exp %slice3A_28 : vector<256x1024xf32>
    %exp3A_60 = math.exp %slice3A_29 : vector<256x1024xf32>
    %exp3A_61 = math.exp %slice3A_30 : vector<256x1024xf32>
    %exp3A_62 = math.exp %slice3A_31 : vector<256x1024xf32>
    %exp3A_63 = math.exp %slice3A_32 : vector<256x1024xf32>
    %exp3A_64 = math.exp %slice3A_33 : vector<256x1024xf32>
    %mul3A = arith.mulf %get3A_4, %add3A_55 : vector<256x1024xf32>
    %mul3A_65 = arith.constant -9.99999997E-7 : f32
    %mul3A_66 = vector.broadcast %mul3A_65 : f32 to vector<256x1024xf32>
    %mul3A_67 = arith.mulf %mul3A_66, %add3A_55 : vector<256x1024xf32>
    %broadcast_in_dim3A = arith.constant 0.000000e+00 : f32
    %broadcast_in_dim3A_68 = vector.broadcast %broadcast_in_dim3A : f32 to vector<256x1024xf32>
    %add3A_69 = arith.addf %mul3A_67, %exp3A : vector<256x1024xf32>
    %add3A_70 = arith.addf %exp3A_56, %exp3A_57 : vector<256x1024xf32>
    %mul3A_71 = arith.mulf %exp3A, %add3A_70 : vector<256x1024xf32>
    %add3A_72 = arith.addf %broadcast_in_dim3A_68, %mul3A_71 : vector<256x1024xf32>
    %gt3A = arith.cmpf ogt, %mul3A, %add3A_69 : vector<256x1024xf32>
    %select_n3A = arith.select %gt3A, %exp3A_42, %exp3A : vector<256x1024xi1>, vector<256x1024xf32>
    %select_n3A_73 = arith.select %gt3A, %exp3A_57, %exp3A_56 : vector<256x1024xi1>, vector<256x1024xf32>
    %select_n3A_74 = arith.select %gt3A, %exp3A_58, %exp3A_57 : vector<256x1024xi1>, vector<256x1024xf32>
    %select_n3A_75 = arith.select %gt3A, %add3A_69, %mul3A_67 : vector<256x1024xi1>, vector<256x1024xf32>
    %select_n3A_76 = arith.select %gt3A, %add3A_72, %broadcast_in_dim3A_68 : vector<256x1024xi1>, vector<256x1024xf32>
    %add3A_77 = arith.addf %add3A_69, %exp3A_42 : vector<256x1024xf32>
    %add3A_78 = arith.addf %exp3A_57, %exp3A_58 : vector<256x1024xf32>
    %mul3A_79 = arith.mulf %exp3A_42, %add3A_78 : vector<256x1024xf32>
    %add3A_80 = arith.addf %add3A_72, %mul3A_79 : vector<256x1024xf32>
    %gt3A_81 = arith.cmpf ogt, %mul3A, %add3A_77 : vector<256x1024xf32>
    %select_n3A_82 = arith.select %gt3A_81, %exp3A_43, %select_n3A : vector<256x1024xi1>, vector<256x1024xf32>
    %select_n3A_83 = arith.select %gt3A_81, %exp3A_58, %select_n3A_73 : vector<256x1024xi1>, vector<256x1024xf32>
    %select_n3A_84 = arith.select %gt3A_81, %exp3A_59, %select_n3A_74 : vector<256x1024xi1>, vector<256x1024xf32>
    %select_n3A_85 = arith.select %gt3A_81, %add3A_77, %select_n3A_75 : vector<256x1024xi1>, vector<256x1024xf32>
    %select_n3A_86 = arith.select %gt3A_81, %add3A_80, %select_n3A_76 : vector<256x1024xi1>, vector<256x1024xf32>
    %add3A_87 = arith.addf %add3A_77, %exp3A_43 : vector<256x1024xf32>
    %add3A_88 = arith.addf %exp3A_58, %exp3A_59 : vector<256x1024xf32>
    %mul3A_89 = arith.mulf %exp3A_43, %add3A_88 : vector<256x1024xf32>
    %add3A_90 = arith.addf %add3A_80, %mul3A_89 : vector<256x1024xf32>
    %gt3A_91 = arith.cmpf ogt, %mul3A, %add3A_87 : vector<256x1024xf32>
    %select_n3A_92 = arith.select %gt3A_91, %exp3A_44, %select_n3A_82 : vector<256x1024xi1>, vector<256x1024xf32>
    %select_n3A_93 = arith.select %gt3A_91, %exp3A_59, %select_n3A_83 : vector<256x1024xi1>, vector<256x1024xf32>
    %select_n3A_94 = arith.select %gt3A_91, %exp3A_60, %select_n3A_84 : vector<256x1024xi1>, vector<256x1024xf32>
    %select_n3A_95 = arith.select %gt3A_91, %add3A_87, %select_n3A_85 : vector<256x1024xi1>, vector<256x1024xf32>
    %select_n3A_96 = arith.select %gt3A_91, %add3A_90, %select_n3A_86 : vector<256x1024xi1>, vector<256x1024xf32>
    %add3A_97 = arith.addf %add3A_87, %exp3A_44 : vector<256x1024xf32>
    %add3A_98 = arith.addf %exp3A_59, %exp3A_60 : vector<256x1024xf32>
    %mul3A_99 = arith.mulf %exp3A_44, %add3A_98 : vector<256x1024xf32>
    %add3A_100 = arith.addf %add3A_90, %mul3A_99 : vector<256x1024xf32>
    %gt3A_101 = arith.cmpf ogt, %mul3A, %add3A_97 : vector<256x1024xf32>
    %select_n3A_102 = arith.select %gt3A_101, %exp3A_45, %select_n3A_92 : vector<256x1024xi1>, vector<256x1024xf32>
    %select_n3A_103 = arith.select %gt3A_101, %exp3A_60, %select_n3A_93 : vector<256x1024xi1>, vector<256x1024xf32>
    %select_n3A_104 = arith.select %gt3A_101, %exp3A_61, %select_n3A_94 : vector<256x1024xi1>, vector<256x1024xf32>
    %select_n3A_105 = arith.select %gt3A_101, %add3A_97, %select_n3A_95 : vector<256x1024xi1>, vector<256x1024xf32>
    %select_n3A_106 = arith.select %gt3A_101, %add3A_100, %select_n3A_96 : vector<256x1024xi1>, vector<256x1024xf32>
    %add3A_107 = arith.addf %add3A_97, %exp3A_45 : vector<256x1024xf32>
    %add3A_108 = arith.addf %exp3A_60, %exp3A_61 : vector<256x1024xf32>
    %mul3A_109 = arith.mulf %exp3A_45, %add3A_108 : vector<256x1024xf32>
    %add3A_110 = arith.addf %add3A_100, %mul3A_109 : vector<256x1024xf32>
    %gt3A_111 = arith.cmpf ogt, %mul3A, %add3A_107 : vector<256x1024xf32>
    %select_n3A_112 = arith.select %gt3A_111, %exp3A_46, %select_n3A_102 : vector<256x1024xi1>, vector<256x1024xf32>
    %select_n3A_113 = arith.select %gt3A_111, %exp3A_61, %select_n3A_103 : vector<256x1024xi1>, vector<256x1024xf32>
    %select_n3A_114 = arith.select %gt3A_111, %exp3A_62, %select_n3A_104 : vector<256x1024xi1>, vector<256x1024xf32>
    %select_n3A_115 = arith.select %gt3A_111, %add3A_107, %select_n3A_105 : vector<256x1024xi1>, vector<256x1024xf32>
    %select_n3A_116 = arith.select %gt3A_111, %add3A_110, %select_n3A_106 : vector<256x1024xi1>, vector<256x1024xf32>
    %add3A_117 = arith.addf %add3A_107, %exp3A_46 : vector<256x1024xf32>
    %add3A_118 = arith.addf %exp3A_61, %exp3A_62 : vector<256x1024xf32>
    %mul3A_119 = arith.mulf %exp3A_46, %add3A_118 : vector<256x1024xf32>
    %add3A_120 = arith.addf %add3A_110, %mul3A_119 : vector<256x1024xf32>
    %gt3A_121 = arith.cmpf ogt, %mul3A, %add3A_117 : vector<256x1024xf32>
    %select_n3A_122 = arith.select %gt3A_121, %exp3A_47, %select_n3A_112 : vector<256x1024xi1>, vector<256x1024xf32>
    %select_n3A_123 = arith.select %gt3A_121, %exp3A_62, %select_n3A_113 : vector<256x1024xi1>, vector<256x1024xf32>
    %select_n3A_124 = arith.select %gt3A_121, %exp3A_63, %select_n3A_114 : vector<256x1024xi1>, vector<256x1024xf32>
    %select_n3A_125 = arith.select %gt3A_121, %add3A_117, %select_n3A_115 : vector<256x1024xi1>, vector<256x1024xf32>
    %select_n3A_126 = arith.select %gt3A_121, %add3A_120, %select_n3A_116 : vector<256x1024xi1>, vector<256x1024xf32>
    %add3A_127 = arith.addf %add3A_117, %exp3A_47 : vector<256x1024xf32>
    %add3A_128 = arith.addf %exp3A_62, %exp3A_63 : vector<256x1024xf32>
    %mul3A_129 = arith.mulf %exp3A_47, %add3A_128 : vector<256x1024xf32>
    %add3A_130 = arith.addf %add3A_120, %mul3A_129 : vector<256x1024xf32>
    %gt3A_131 = arith.cmpf ogt, %mul3A, %add3A_127 : vector<256x1024xf32>
    %select_n3A_132 = arith.select %gt3A_131, %exp3A_48, %select_n3A_122 : vector<256x1024xi1>, vector<256x1024xf32>
    %select_n3A_133 = arith.select %gt3A_131, %exp3A_63, %select_n3A_123 : vector<256x1024xi1>, vector<256x1024xf32>
    %select_n3A_134 = arith.select %gt3A_131, %exp3A_64, %select_n3A_124 : vector<256x1024xi1>, vector<256x1024xf32>
    %select_n3A_135 = arith.select %gt3A_131, %add3A_127, %select_n3A_125 : vector<256x1024xi1>, vector<256x1024xf32>
    %select_n3A_136 = arith.select %gt3A_131, %add3A_130, %select_n3A_126 : vector<256x1024xi1>, vector<256x1024xf32>
    %add3A_137 = arith.addf %exp3A_63, %exp3A_64 : vector<256x1024xf32>
    %mul3A_138 = arith.mulf %exp3A_48, %add3A_137 : vector<256x1024xf32>
    %add3A_139 = arith.addf %add3A_130, %mul3A_138 : vector<256x1024xf32>
    %div3A = arith.constant 1.000000e+00 : f32
    %div3A_140 = vector.broadcast %div3A : f32 to vector<256x1024xf32>
    %div3A_141 = arith.divf %div3A_140, %add3A_139 : vector<256x1024xf32>
    %sub3A_142 = arith.subf %mul3A, %select_n3A_135 : vector<256x1024xf32>
    %div3A_143 = arith.divf %sub3A_142, %select_n3A_132 : vector<256x1024xf32>
    %sub3A_144 = arith.subf %select_n3A_134, %select_n3A_133 : vector<256x1024xf32>
    %mul3A_145 = arith.mulf %div3A_143, %sub3A_144 : vector<256x1024xf32>
    %add3A_146 = arith.addf %select_n3A_133, %select_n3A_133 : vector<256x1024xf32>
    %mul3A_147 = arith.mulf %div3A_143, %select_n3A_132 : vector<256x1024xf32>
    %add3A_148 = arith.addf %add3A_146, %mul3A_145 : vector<256x1024xf32>
    %mul3A_149 = arith.mulf %mul3A_147, %add3A_148 : vector<256x1024xf32>
    %add3A_150 = arith.addf %select_n3A_136, %mul3A_149 : vector<256x1024xf32>
    %mul3A_151 = arith.mulf %add3A_150, %div3A_141 : vector<256x1024xf32>
    %add3A_152 = arith.addf %mul3A_145, %mul3A_145 : vector<256x1024xf32>
    %add3A_153 = arith.addf %add3A_146, %add3A_152 : vector<256x1024xf32>
    %mul3A_154 = arith.mulf %add3A_55, %div3A_141 : vector<256x1024xf32>
    %mul3A_155 = arith.mulf %add3A_153, %mul3A_154 : vector<256x1024xf32>
    %swap3A = arith.constant 0 : index
    %swap3A_156 = arith.constant 0 : index
    %swap3A_157 = vector.load %arg6[%swap3A, %swap3A_156] : memref<256x2048xf32, #tpu.memory_space<vmem>>, vector<256x1024xf32>
    tpu.vector_store %arg6[%swap3A, %swap3A_156], %get3A_1 {strides = array<i32>} : memref<256x2048xf32, #tpu.memory_space<vmem>>, vector<256x1024xf32>,
    %swap3A_158 = arith.constant 0 : index
    %swap3A_159 = arith.constant 1024 : index
    %swap3A_160 = vector.load %arg6[%swap3A_158, %swap3A_159] : memref<256x2048xf32, #tpu.memory_space<vmem>>, vector<256x1024xf32>
    tpu.vector_store %arg6[%swap3A_158, %swap3A_159], %mul3A_151 {strides = array<i32>} : memref<256x2048xf32, #tpu.memory_space<vmem>>, vector<256x1024xf32>,
    %log3A = math.log %mul3A_155 : vector<256x1024xf32>
    %reduce_sum3A = arith.constant dense<0.000000e+00> : vector<256xf32>
    %reduce_sum3A_161 = vector.multi_reduction <add>, %log3A, %reduce_sum3A [1] : vector<256x1024xf32> to vector<256xf32>
    %broadcast_in_dim3A_162 = vector.shape_cast %reduce_sum3A_161 : vector<256xf32> to vector<256x1xf32>
    %neg3A = arith.constant 0.000000e+00 : f32
    %neg3A_163 = vector.broadcast %neg3A : f32 to vector<256x1xf32>
    %neg3A_164 = arith.subf %neg3A_163, %broadcast_in_dim3A_162 : vector<256x1xf32>
    %swap3A_165 = arith.constant 0 : index
    %swap3A_166 = arith.constant 0 : index
    %swap3A_167 = vector.load %arg7[%swap3A_165, %swap3A_166] : memref<256x1xf32, #tpu.memory_space<vmem>>, vector<256x1xf32>
    tpu.vector_store %arg7[%swap3A_165, %swap3A_166], %neg3A_164 {strides = array<i32>} : memref<256x1xf32, #tpu.memory_space<vmem>>, vector<256x1xf32>,
    return
  }
  func.func @transform_0(%arg0: i32) -> (i32, i32) {
    %c0_i32 = arith.constant 0 : i32
    %c0_i32_0 = arith.constant 0 : i32
    return %arg0, %c0_i32 : i32, i32
  }
  func.func @transform_1(%arg0: i32) -> (i32, i32) {
    %c0_i32 = arith.constant 0 : i32
    %c0_i32_0 = arith.constant 0 : i32
    %c0_i32_1 = arith.constant 0 : i32
    return %c0_i32, %c0_i32_0 : i32, i32
  }
  func.func @transform_2(%arg0: i32) -> (i32, i32) {
    %c0_i32 = arith.constant 0 : i32
    %c0_i32_0 = arith.constant 0 : i32
    %c0_i32_1 = arith.constant 0 : i32
    return %c0_i32, %c0_i32_0 : i32, i32
  }
  func.func @transform_3(%arg0: i32) -> (i32, i32) {
    %c0_i32 = arith.constant 0 : i32
    %c0_i32_0 = arith.constant 0 : i32
    %c0_i32_1 = arith.constant 0 : i32
    return %c0_i32, %c0_i32_0 : i32, i32
  }
  func.func @transform_4(%arg0: i32) -> (i32, i32) {
    %c0_i32 = arith.constant 0 : i32
    %c0_i32_0 = arith.constant 0 : i32
    %c0_i32_1 = arith.constant 0 : i32
    return %c0_i32, %c0_i32_0 : i32, i32
  }
  func.func @transform_5(%arg0: i32) -> (i32, i32) {
    %c0_i32 = arith.constant 0 : i32
    %c0_i32_0 = arith.constant 0 : i32
    return %arg0, %c0_i32 : i32, i32
  }
  func.func @transform_6(%arg0: i32) -> (i32, i32) {
    %c0_i32 = arith.constant 0 : i32
    %c0_i32_0 = arith.constant 0 : i32
    return %arg0, %c0_i32 : i32, i32
  }
}

</mosaic_0001>

<sc_bundles>
// kernel: gather_offload_async_start
scs
__scs_entry_jumppad:
0x0: {  	(pc) =	sbr.rel $0x88, $3  }
0x1: {  	(tag) =	ssettag $0x0;
	lr =	simm.s32 $0x1  }
0x2: {  	[smem:$0x3F9B] =	sst lr;
	_ =	strace $0xD0000000  }
0x3: {  	_ = 	snop  }
0x4: {  	_ = 	snop  }
0x5: {  	_ = 	snop  }
0x6: {  	_ = 	snop  }
0x7: {  	_ = 	snop  }
__scs_overlays_trampoline_lowered:
0x8: {  	[smem:$0x3FAA] =	sst s0  }
0x9: {  	[smem:$0x3FAB] =	sst s1  }
0xa: {  	[smem:$0x3FAC] =	sst s2  }
0xb: {  	[smem:$0x3FAD] =	sst s3  }
0xc: {  	[smem:$0x3FAE] =	sst s4  }
0xd: {  	[smem:$0x3FAF] =	sst s5  }
0xe: {  	[smem:$0x3FB0] =	sst s6  }
0xf: {  	[smem:$0x3FB1] =	sst s7  }
0x10: {  	[smem:$0x3FB2] =	sst s8  }
0x11: {  	[smem:$0x3FB3] =	sst s9;
	s0 =	simm.s32 @!p0 $0x0  }
0x12: {  	s1 =	sld [smem:$0x3F99];
	s0 =	simm.s32 @p0 $0x1  }
0x13: {  	[smem:$0x3FB4] =	sst s0;
	s0 =	simm.s32 @!p1 $0x0  }
0x14: {  	s2 =	sld [smem:$0x3F98];
	s0 =	simm.s32 @p1 $0x1  }
0x15: {  	[smem:$0x3FB5] =	sst s0;
	s0 =	simm.s32 @!p2 $0x0  }
0x16: {  	s3 =	sld [smem:$0x3FDB];
	s0 =	simm.s32 @p2 $0x1  }
0x17: {  	s4 =	simm.s32 $0x1BF5;
	[smem:$0x3FB7] =	sst s0  }
0x18: {  	s0 =	sld [smem:$0x3F9A];
	_ =	swait.ge [sflag:s4], $0x0  }
0x19: {  	s7 =	sld [smem:$0x3F9B]  }
0x1a: {  	s8 =	sadd.s32 $0xFFFFE003, lr  }
0x1b: {  	s9 =	sadd.s32 $0xFFFFFEF7, lr;
	s5 =	simm.s32 $0xFFFFFFFF;
	p2 =	slt.u32 s8, $0xFFFFF086  }
0x1c: {  	p1 =	slt.u32 s9, $0xF7A;
	s5 =	simm.s32 @!p2 $0x0  }
0x1d: {  	s5 =	simm.s32 @p1 $0x1;
	p0 =	seq.s32 s7, s2  }
0x1e: {  	s7 =	smul.u32 @!p0 $0xF7A, s2;
	p2 =	seq.s32 @!p0 s5, $0x0  }
0x1f: {  	s9 =	smul.u32 $0xF7A, s1;
	s8 =	simm.s32 @!p0 $0x1BF5;
	p2 =	por !p2, p0  }
0x20: {  	[sflag:s8] =	ssyncset.s32 @!p0 $0xFFFFF086;
	s6 =	sadd.s32 @!p0 s3, s7;
	s7 =	simm.s32 @!p0 $0x108  }
0x21: {  	s3 =	sadd.s32 s3, s9;
	s6 =	sadd.s32 @!p0 $0x88, s6;
	s7 =	simm.s32 @p2 $0x1082  }
0x22: {  	[simem:s7], [sflag:s8] =	dma.local @!p0 [hbm:s6], $0xF7A  }
0x23: {  	s9 =	sor.u32 $0xD0000000, s2;
	s6 =	simm.s32 $0x108;
	_ =	swait.ge @!p0 [sflag:s8], $0x0  }
0x24: {  	s3 =	sadd.s32 $0x88, s3;
	s6 =	simm.s32 @!p1 $0x1082;
	[sflag:s4] =	ssyncset.s32 $0xFFFFF086  }
0x25: {  	[simem:s6], [sflag:s4] =	dma.local [hbm:s3], $0xF7A  }
0x26: {  	[smem:$0x3F9B] =	sst s1;
	(tag) =	ssettag s2;
	_ =	strace s9  }
0x27: {  	s1 =	sld [smem:$0x3FAB]  }
0x28: {  	s2 =	sld [smem:$0x3FAC]  }
0x29: {  	s4 =	sld [smem:$0x3FAE]  }
0x2a: {  	p0 =	seq.s32 s5, $0x0;
	s5 =	sld [smem:$0x3FAF]  }
0x2b: {  	s6 =	sld [smem:$0x3FB0]  }
0x2c: {  	s7 =	sld [smem:$0x3FB1]  }
0x2d: {  	s3 =	simm.s32 $0x108;
	s8 =	sld [smem:$0x3FB2]  }
0x2e: {  	s3 =	simm.s32 @!p0 $0x1082;
	s9 =	sld [smem:$0x3FB3]  }
0x2f: {  	lr =	sadd.s32 s0, s3;
	s0 =	sld [smem:$0x3FAA]  }
0x30: {  	s3 =	sld [smem:$0x3FAD]  }
0x31: {  	[smem:$0x3FB6] =	sst s10  }
0x32: {  	s10 =	sld [smem:$0x3FB4];
	_ =	sdelay $0x3  }
0x33: {  	p0 =	seq.s32 s10, $0x1;
	s10 =	sld [smem:$0x3FB6];
	_ =	sdelay $0x3  }
0x34: {  	[smem:$0x3FB6] =	sst s10  }
0x35: {  	s10 =	sld [smem:$0x3FB5];
	_ =	sdelay $0x3  }
0x36: {  	p1 =	seq.s32 s10, $0x1;
	s10 =	sld [smem:$0x3FB6];
	_ =	sdelay $0x3  }
0x37: {  	[smem:$0x3FB6] =	sst s10  }
0x38: {  	s10 =	sld [smem:$0x3FB7]  }
0x39: {  	_ = 	snop;
	(pc) =	sbr.ind lr, $3  }
0x3a: {  	_ = 	snop  }
0x3b: {  	_ = 	snop  }
0x3c: {  	p2 =	seq.s32 s10, $0x1;
	s10 =	sld [smem:$0x3FB6]  }
0x3d: {  	_ =	shalt  }
0x3e: {  	_ =	shalt  }
0x3f: {  	_ =	shalt  }
0x40: {  	_ =	shalt  }
0x41: {  	_ =	shalt  }
0x42: {  	_ =	shalt  }
0x43: {  	_ =	shalt  }
0x44: {  	_ =	shalt  }
0x45: {  	_ =	shalt  }
0x46: {  	_ =	shalt  }
0x47: {  	_ =	shalt  }
0x48: {  	_ =	shalt  }
0x49: {  	_ =	shalt  }
0x4a: {  	_ =	shalt  }
0x4b: {  	_ =	shalt  }
0x4c: {  	_ =	shalt  }
0x4d: {  	_ =	shalt  }
0x4e: {  	_ =	shalt  }
0x4f: {  	_ =	shalt  }
0x50: {  	_ =	shalt  }
0x51: {  	_ =	shalt  }
0x52: {  	_ =	shalt  }
0x53: {  	_ =	shalt  }
0x54: {  	_ =	shalt  }
0x55: {  	_ =	shalt  }
0x56: {  	_ =	shalt  }
0x57: {  	_ =	shalt  }
0x58: {  	_ =	shalt  }
0x59: {  	_ =	shalt  }
0x5a: {  	_ =	shalt  }
0x5b: {  	_ =	shalt  }
0x5c: {  	_ =	shalt  }
0x5d: {  	_ =	shalt  }
0x5e: {  	_ =	shalt  }
0x5f: {  	_ =	shalt  }
0x60: {  	_ =	shalt  }
0x61: {  	_ =	shalt  }
0x62: {  	_ =	shalt  }
0x63: {  	_ =	shalt  }
0x64: {  	_ =	shalt  }
0x65: {  	_ =	shalt  }
0x66: {  	_ =	shalt  }
0x67: {  	_ =	shalt  }
0x68: {  	_ =	shalt  }
0x69: {  	_ =	shalt  }
0x6a: {  	_ =	shalt  }
0x6b: {  	_ =	shalt  }
0x6c: {  	_ =	shalt  }
0x6d: {  	_ =	shalt  }
0x6e: {  	_ =	shalt  }
0x6f: {  	_ =	shalt  }
0x70: {  	_ =	shalt  }
0x71: {  	_ =	shalt  }
0x72: {  	_ =	shalt  }
0x73: {  	_ =	shalt  }
0x74: {  	_ =	shalt  }
0x75: {  	_ =	shalt  }
0x76: {  	_ =	shalt  }
0x77: {  	_ =	shalt  }
0x78: {  	_ =	shalt  }
0x79: {  	_ =	shalt  }
0x7a: {  	_ =	shalt  }
0x7b: {  	_ =	shalt  }
0x7c: {  	_ =	shalt  }
0x7d: {  	_ =	shalt  }
0x7e: {  	_ =	shalt  }
0x7f: {  	_ =	shalt  }
0x80: {  	_ =	shalt  }
0x81: {  	_ =	shalt  }
0x82: {  	_ =	shalt  }
0x83: {  	_ =	shalt  }
0x84: {  	_ =	shalt  }
0x85: {  	_ =	shalt  }
0x86: {  	_ =	shalt  }
0x87: {  	_ =	shalt  }
.Lfunc_end0:
.L_simem_size_0:
called_computation_lowered:
.L_overlay_start_0:
0x88: {  	s2 =	sld [smem:$0x3FD9]  }
0x89: {  	s3 =	sld [smem:$0x3FFE];
	_ =	sdelay $0x1  }
0x8a: {  	s1 =	srdreg.scid  }
0x8b: {  	s0 =	sand.u32 $0x1, s1  }
0x8c: {  	s14 =	sshll.u32 s0, $0xA;
	s2 =	sadd.s32 s3, s2  }
0x8d: {  	s2 =	sadd.s32 s2, s14  }
0x8e: {  	[smem:$0x3FC2] =	sst s2  }
0x8f: {  	_ = 	snop  }
0x90: {  	s2 =	sld [smem:$0x3FD0];
	_ =	sdelay $0x2  }
0x91: {  	s15 =	simm.s32 $0xA;
	s4 =	simm.s32 $0x10  }
0x92: {  	[smem:s4], [sflag:s15] =	dma.local [hbm:s2], $0x1  }
0x93: {  	_ =	swait.eq [sflag:s15], $0x1  }
0x94: {  	[sflag:s15] =	ssyncset.done $0x0  }
0x95: {  	[sflag:s15] =	ssyncadd.s32 $0xFFFFFFFF  }
0x96: {  	s16 =	sld [smem:$0x10];
	(tm) =	ssettm $0x1  }
0x97: {  	s17 =	sld [smem:$0x3FFB];
	_ =	sdelay $0x3  }
0x98: {  	_ =	strace s17  }
0x99: {  	s3 =	sld [smem:$0x3FFC];
	_ =	sdelay $0x3  }
0x9a: {  	_ =	strace s3  }
0x9b: {  	s3 =	sld [smem:$0x3FFD];
	_ =	sdelay $0x3  }
0x9c: {  	_ =	strace s3  }
0x9d: {  	_ =	strace $0x8FFFFFFF  }
0x9e: {  	s18 =	sld [smem:$0x3FDB];
	_ =	sdelay $0x1  }
0x9f: {  	s19 =	simm.s32 $_scs_section_size  }
0xa0: {  	s5 =	simm.s32 $_size__tile_overlayer_lowered;
	s6 =	simm.s32 $_tile_overlayer_lowered  }
0xa1: {  	s22 =	simm.s32 $0x1BFF;
	s21 =	sshll.u32 s6, $0x1;
	s3 =	sadd.s32 s19, s18  }
0xa2: {  	s7 =	simm.s32 $0x0;
	s20 =	sshll.u32 s5, $0x1;
	s5 =	sadd.s32 s21, s3  }
0xa3: {  	[timem:s7], [sflag:s22] =	dma.local [hbm:s5], s20  }
0xa4: {  	_ =	swait.ge [sflag:s22], s20  }
0xa5: {  	s4 =	ssub.s32 $0x0, s20;
	[sflag:s22] =	ssyncset.done $0x0  }
0xa6: {  	[sflag:s22] =	ssyncadd.s32 s4;
	_ =	sdelay $0x1  }
0xa7: {  	s23 =	simm.s32 $0x1B8B  }
0xa8: {  	_ =	swait.ge [sflag:s23], $0x1  }
0xa9: {  	[sflag:s23] =	ssyncset.done $0x0  }
0xaa: {  	s25 =	simm.s32 $0x1B8E;
	s24 =	sld [smem:$0x3FFE];
	[sflag:s23] =	ssyncadd.s32 $0xFFFFFFFF  }
0xab: {  	s26 =	simm.s32 $execute0_lowered;
	[smem:$0x3FD2] =	sst s25  }
0xac: {  	s5 =	sshll.u32 s26, $0x1;
	_ =	strace $0x80000046;
	[dreg:$0x1] =	wrdreg $0xFFFFFFFF  }
0xad: {  	s28 =	simm.s32 $_size_execute0_lowered;
	s3 =	sadd.s32 s3, s5;
	[dreg:$0x0] =	wrdreg $0x0  }
0xae: {  	s5 =	sshll.u32 s28, $0x1;
	[dreg:$0x2] =	wrdreg s3  }
0xaf: {  	[dreg:$0x3] =	wrdreg s5  }
0xb0: {  	[dreg:$0x4] =	wrdreg $0xC0  }
0xb1: {  	_ =	task [dreg:s7], $0x5FFFF  }
0xb2: {  	[dreg:$0x1] =	wrdreg $0xFFFFFFFF  }
0xb3: {  	[dreg:$0x0] =	wrdreg $0x60  }
0xb4: {  	[dreg:$0x2] =	wrdreg s16  }
0xb5: {  	[dreg:$0x3] =	wrdreg s24  }
0xb6: {  	[dreg:$0x4] =	wrdreg $0x9  }
0xb7: {  	_ =	task.clear_ibuf [dreg:s7], $0x5FFFF;
	_ =	strace $0x90000046  }
0xb8: {  	s29 =	simm.s32 $0x9;
	_ =	strace $0x80000048  }
0xb9: {  	_ =	swait.ge [sflag:s29], $0x1  }
0xba: {  	[sflag:s29] =	ssyncadd.s32 $0xFFFFFFFF  }
0xbb: {  	_ =	strace $0x90000048  }
0xbc: {  	_ =	sfence  }
0xbd: {  	s30 =	sld [smem:$0x0];
	_ =	sdelay $0x2  }
0xbe: {  	s31 =	sshll.u32 s1, $0xD;
	s1 =	sshrl.u32 s1, $0x2  }
0xbf: {  	s3 =	sand.u32 $0x4000, s31;
	s1 =	sadd.s32 s1, s30  }
0xc0: {  	s0 =	sor.u32 s3, s0;
	s1 =	sshll.u32 s1, $0x11  }
0xc1: {  	s0 =	sor.u32 s1, s0  }
0xc2: {  	s0 =	sadd.s32 $0x8F2B, s0  }
0xc3: {  	[sflag:s0] =	ssyncadd.remote.s32 $0x1  }
0xc4: {  	_ =	sfence.sel $0xFFFF  }
0xc5: {  	[dreg:$0x0] =	wrdreg $0xFFFFFFFF;
	(pc) =	sbr.abs _section_cstart, $3  }
0xc6: {  	[dreg:$0x1] =	wrdreg $0xFFFFFFFF  }
0xc7: {  	_ =	task.clear_ibuf [dreg:s7], $0x2FFFF;
	_ =	strace $0x9FFFFFFF  }
0xc8: {  	(tm) =	ssettm $0x7FFFFFFF  }
0xc9: {  	_ =	shalt  }
tec
execute0_lowered:
.L_overlay_start_1:
0x0: {  	(tag) =	ssettag $0x1  }
0x1: {  	s0 =	srdreg.scid  }
0x2: {  	s1 =	sshll.u32 s0, $0x4  }
0x3: {  	s0 =	stileid.u32;
	s1 =	sand.u32 $0x10, s1  }
0x4: {  	s9 =	rddreg [dreg:$0x1];
	s1 =	sor.u32 s0, s1  }
0x5: {  	s6 =	simm.s32 $0x1;
	s2 =	smin.u32 s1, $0x4;
	s3 =	sshll.u32 s1, $0x9  }
0x6: {  	p0 =	sgt.u32 s1, $0x3;
	s1 =	simm.s32 $0x200;
	s4 =	sshll.u32 s2, $0x8  }
0x7: {  	s7 =	simm.s32 $0x2;
	s1 =	simm.s32 @!p0 $0x300;
	s3 =	sadd.s32 s3, s4  }
0x8: {  	s10 =	simm.s32 $0x3;
	s13 =	simm.s32 $0x0;
	s4 =	sadd.s32 s1, s3  }
0x9: {  	s12 =	simm.s32 $0x0;
	s5 =	sadd.s32 $0x2000, s9;
	s4 =	smin.u32 s4, $0x4400  }
.Ltmp0:
0xa: {  	s2 =	rddreg [dreg:$0x0];
	s8 =	ssub.s32 s4, s3;
	(pc) =	sbr.rel .LBB2_1-.Ltmp0, $4  }
0xb: {  	s1 =	rddreg [dreg:$0x2];
	_ =	strace $0x80000047;
	p0 =	sgt.s32 s8, $0x0  }
0xc: {  	s9 =	sadd.s32 $0x2A00, s9;
	[sflag:s6] =	ssyncpa.u1 $0x0;
	s8 =	simm.s32 @!p0 $0x0  }
0xd: {  	s11 =	smov.u32 s3;
	[sflag:s7] =	ssyncpa.u1 $0x0;
	s8 =	sshrl.u32 s8, $0x8  }
0xe: {  	vm0 =	vmmov $0xff;
	vm1 =	vcmask $0x3F20;
	[sflag:s10] =	ssyncpa.u1 $0x0;
	p0 =	por $0x0, $0x0;
	s10 =	sadd.s32 $0x1, s8  }
.LBB2_6:
0xf: {  	[hbm:s17] =	stream.linear.scatter [tilespmem:s14], [sflag:$0x3], $0x400, $0x38;
	[tilespmem:$0x10200] =	vst v63  }
.LBB2_7:
0x10: {  	s13 =	sadd.s32 $0x100, s11  }
0x11: {  	s15 =	smov.u32 s3;
	p2 =	slt.s32 s13, s4  }
0x12: {  	s15 =	smov.u32 @p2 s13;
	p2 =	sne.s32 s12, s10  }
.Ltmp1:
0x13: {  	p1 =	slt.u32 s12, $0x2;
	(pc) =	sbr.rel @!p2 .LBB2_8-.Ltmp1, $4  }
0x14: {  	s14 =	simm.s32 @!p1 $0x3  }
0x15: {  	s16 =	sadd.s32 $0x1, s12;
	_ =	swait.ge @!p1 [sflag:s14], $0x8000  }
0x16: {  	p0 =	por !p0, !p0;
	s13 =	smov.u32 s11;
	[sflag:s14] =	ssyncset.done @!p1 $0x0  }
0x17: {  	s12 =	smov.u32 s16;
	s11 =	smov.u32 s15;
	[sflag:s14] =	ssyncadd.s32 @!p1 $0xFFFF8000  }
.LBB2_1:
0x18: {  	p1 =	sge.u32 s12, s8  }
0x19: {  	s14 =	sxor.u32 @!p1 $0xFFFFFFFF, s12  }
0x1a: {  	s31 =	sadd.s32 $0xFFFFFFFF, s12;
	s15 =	sshrl.u32 @!p1 s11, $0x3;
	s14 =	sshll.u32 @!p1 s14, $0x8  }
0x1b: {  	s16 =	sand.u32 @!p1 $0x7, s11;
	s15 =	sadd.s32 @!p1 s5, s15;
	s14 =	sand.u32 @!p1 $0x100, s14  }
0x1c: {  	[tilespmem:s14], [sflag:$0x2] =	stream.linear.gather @!p1 [hbm4b:s15+s16], $0x100, $0x38;
	[tilespmem:$0x10200] =	vst v63  }
0x1d: {  	p1 =	sge.u32 s31, s8  }
.Ltmp2:
0x1e: {  	_ = 	snop;
	(pc) =	sbr.rel @p1 .LBB2_7-.Ltmp2, $1  }
0x1f: {  	_ =	sdelay $0x3  }
0x20: {  	s14 =	simm.s32 $0x1  }
0x21: {  	_ =	swait.ge [sflag:s7], $0x100;
	s14 =	simm.s32 @!p0 $0x0  }
0x22: {  	[sflag:s7] =	ssyncset.done $0x0;
	s16 =	sshll.u32 s14, $0x8  }
0x23: {  	[sflag:s7] =	ssyncadd.s32 $0xFFFFFF00;
	s15 =	sadd.s32 $0x0, s16  }
0x24: {  	v0 =	vld.msk [tilespmem:s15+$0x0 ss:$0x1], $0xffff;
	_ =	sdelay $0x4  }
0x25: {  	vm2 =	vgt.s32 v0, $0x0  }
0x26: {  	v0 =	vnsel vm2, $0x0, v0  }
0x27: {  	v0 =	vmin.u32 v0, $0x43FF  }
0x28: {  	v0 =	vshll.u32 v0, $0x4;
	_ =	sdelay $0x2  }
0x29: {  	s14 =	sshll.u32 s14, $0xF  }
0x2a: {  	s14 =	sor.u32 $0x200, s14  }
0x2b: {  	[tilespmem:s14], [sflag:$0x1] =	stream.indirect_vreg.gather [hbm:s2], $0x80, v0, vm0, $0x38;
	[tilespmem:$0x10200] =	vst v63  }
0x2c: {  	s17 =	sadd.s32 $0x10, s16;
	s15 =	sadd.s32 $0x400, s14  }
0x2d: {  	[tilespmem:s15], [sflag:$0x1] =	stream.indirect_vreg.gather [hbm:s2], $0x80, v0, vm1, $0x38;
	[tilespmem:$0x10200] =	vst v63  }
0x2e: {  	s18 =	simm.s32 $0x80;
	v0 =	vld.msk [tilespmem:s17+$0x0 ss:$0x1], $0xffff;
	s17 =	smov.u32 s14  }
.LBB2_3:
0x2f: {  	p1 =	sne.s32 s18, $0x3C0;
	_ =	sdelay $0x4  }
0x30: {  	vm2 =	vgt.s32 v0, $0x0  }
0x31: {  	v0 =	vnsel vm2, $0x0, v0  }
0x32: {  	v0 =	vmin.u32 v0, $0x43FF  }
0x33: {  	v0 =	vshll.u32 v0, $0x4;
	_ =	sdelay $0x3  }
.Ltmp3:
0x34: {  	s19 =	sshra.s32 s18, $0x2;
	s17 =	sadd.s32 $0x800, s17;
	(pc) =	sbr.rel @p1 .LBB2_3-.Ltmp3, $4  }
0x35: {  	[tilespmem:s17], [sflag:$0x1] =	stream.indirect_vreg.gather [hbm:s2], $0x80, v0, vm0, $0x38;
	[tilespmem:$0x10200] =	vst v63  }
0x36: {  	s19 =	sadd.s32 s19, s16;
	s20 =	sadd.s32 $0x400, s17  }
0x37: {  	[tilespmem:s20], [sflag:$0x1] =	stream.indirect_vreg.gather [hbm:s2], $0x80, v0, vm1, $0x38;
	[tilespmem:$0x10200] =	vst v63  }
0x38: {  	s18 =	sadd.s32 $0x40, s18;
	v0 =	vld.msk [tilespmem:s19+$0x0 ss:$0x1], $0xffff  }
0x39: {  	_ =	sdelay $0x3  }
0x3a: {  	vm2 =	vgt.s32 v0, $0x0  }
0x3b: {  	v0 =	vnsel vm2, $0x0, v0  }
0x3c: {  	v0 =	vmin.u32 v0, $0x43FF  }
0x3d: {  	v0 =	vshll.u32 v0, $0x4;
	_ =	sdelay $0x3  }
0x3e: {  	s16 =	sadd.s32 $0x800, s17  }
0x3f: {  	[tilespmem:s16], [sflag:$0x1] =	stream.indirect_vreg.gather [hbm:s2], $0x80, v0, vm0, $0x38;
	[tilespmem:$0x10200] =	vst v63  }
0x40: {  	s16 =	sadd.s32 $0x400, s16  }
0x41: {  	[tilespmem:s16], [sflag:$0x1] =	stream.indirect_vreg.gather [hbm:s2], $0x80, v0, vm1, $0x38;
	[tilespmem:$0x10200] =	vst v63  }
0x42: {  	s13 =	sshll.u32 s13, $0x4;
	_ =	swait.ge [sflag:s6], $0x8000  }
0x43: {  	s13 =	sadd.s32 s13, s9;
	[sflag:s6] =	ssyncset.done $0x0  }
0x44: {  	s17 =	sadd.s32 $0x0, s13;
	s16 =	simm.s32 $0x80;
	[sflag:s6] =	ssyncadd.s32 $0xFFFF8000  }
.LBB2_5:
0x45: {  	[hbm:s17] =	stream.linear.scatter [tilespmem:s14], [sflag:$0x3], $0x400, $0x38;
	[tilespmem:$0x10200] =	vst v63  }
0x46: {  	s17 =	smov.u32 s16;
	s14 =	smov.u32 s15;
	p1 =	sne.s32 s16, $0xF80  }
.Ltmp4:
0x47: {  	s16 =	sadd.s32 $0x80, s16;
	(pc) =	sbr.rel @p1 .LBB2_5-.Ltmp4, $2  }
0x48: {  	_ =	sdelay $0x2  }
0x49: {  	s15 =	sadd.s32 $0x400, s15;
	s17 =	sadd.s32 s17, s13  }
.Ltmp5:
0x4a: {  	_ = 	snop;
	(pc) =	sbr.rel .LBB2_6-.Ltmp5, $1  }
0x4b: {  	_ =	sdelay $0x3  }
.LBB2_8:
0x4c: {  	_ =	sfence.sel $0x180000  }
0x4d: {  	s2 =	simm.s32 $0x2;
	[bflag:$0x0] =	sbarrier.arrive $0xFFFF  }
0x4e: {  	s30 =	simm.s32 $0x3;
	[sflag:s2] =	ssyncpa.u1 $0x1  }
0x4f: {  	s31 =	simm.s32 $0x1;
	[sflag:s30] =	ssyncpa.u1 $0x1  }
0x50: {  	[sflag:s31] =	ssyncpa.u1 $0x1  }
0x51: {  	p0 =	sne.s32 s0, $0x0;
	_ =	strace $0x90000047  }
0x52: {  	s0 =	sadd.s32 @!p0 $0x100000, s1;
	[bflag:$0x2] =	sbarrier.arrive $0xFFFF  }
0x53: {  	[sflag:s0] =	ssyncadd.tile.s32 @!p0 $0x1;
	_ =	shalt  }
.Lfunc_end2:
_tile_overlayer_lowered:
.L_overlay_start_2:
0x54: {  	(tag) =	ssettag $0x2  }
0x55: {  	s0 =	rddreg [dreg:$0x0];
	s2 =	stileid.u32  }
0x56: {  	s1 =	rddreg [dreg:$0x1];
	p0 =	sne.s32 s2, $0x0  }
0x57: {  	s3 =	rddreg [dreg:$0x2];
	[bflag:$0x3] =	sbarrier.arrive $0xFFFF;
	s2 =	simm.s32 @!p0 $0x1C01  }
0x58: {  	[timem:s3], [sflag:s2] =	dma.local @!p0 [hbm:s0], s1  }
0x59: {  	s0 =	simm.s32 @!p0 $0x1  }
0x5a: {  	_ =	swait.ge @!p0 [sflag:s0], s1  }
0x5b: {  	s1 =	ssub.s32 @!p0 $0x0, s1;
	[sflag:s0] =	ssyncset.done @!p0 $0x0  }
0x5c: {  	[sflag:s0] =	ssyncadd.s32 @!p0 s1  }
0x5d: {  	[bflag:$0x3] =	sbarrier.arrive $0xFFFF  }
0x5e: {  	_ =	shalt  }

</sc_bundles>
